<compile_context>
chip_gen: v7x
topology: tpu7x:2x2x1
jax: 0.10.2.dev20260603
libtpu: 0.0.44.dev20260713+nightly
codegen_flags: <defaults>
</compile_context>

<pallas_src>
import jax
import jax.numpy as jnp
from jax import lax
from jax.experimental import pallas as pl
from jax.experimental.pallas import tpu as pltpu
from jax.experimental.pallas import tpu_sc as plsc

T = 32
DIM = 1024
INTER = 2048
E = 16
TOPK = 2
IB = 1024
NJ = INTER // IB
NP = T * TOPK


def _scale_sc_kernel(pk_hbm, s_hbm, pk_v, s_v):
    cid = lax.axis_index("c")
    sid = lax.axis_index("s")

    @pl.when((cid == 0) & (sid == 0))
    def _():
        pltpu.sync_copy(pk_hbm, pk_v)

        for z in range(E * T // 16):
            s_v[pl.ds(z * 16, 16)] = jnp.zeros((16,), jnp.float32)
        for c in range(NP // 16):
            p = c * 16 + lax.iota(jnp.int32, 16)
            t = lax.shift_right_logical(p, 1)
            idx = pk_v[pl.ds(c * 16, 16)]
            lin = idx * T + t
            gw = plsc.bitcast(pk_v[pl.ds(NP + c * 16, 16)], jnp.float32)
            plsc.addupdate_scatter(s_v, [lin], gw)
        pltpu.sync_copy(s_v, s_hbm)


def _routing_scales(expert_indices, expert_weights):
    gw_bits = jax.lax.bitcast_convert_type(expert_weights, jnp.int32).reshape(NP)
    pk = jnp.concatenate([expert_indices.astype(jnp.int32).reshape(NP), gw_bits])
    mesh = plsc.VectorSubcoreMesh(
        core_axis_name="c", subcore_axis_name="s", num_cores=1
    )
    s = pl.kernel(
        _scale_sc_kernel,
        mesh=mesh,
        out_type=jax.ShapeDtypeStruct((E * T,), jnp.float32),
        scratch_types=[
            pltpu.VMEM((2 * NP,), jnp.int32),
            pltpu.VMEM((E * T,), jnp.float32),
        ],
        compiler_params=pltpu.CompilerParams(needs_layout_passes=False),
    )(pk)
    return s.reshape(E, T, 1)


def _ffn_kernel(x_ref, w1_ref, w3_ref, w2_ref, eo_ref):
    j = pl.program_id(1)

    @pl.when(j == 0)
    def _init():
        eo_ref[...] = jnp.zeros_like(eo_ref)

    x = x_ref[...]
    w1 = w1_ref[0]
    w3 = w3_ref[0]
    w2 = w2_ref[0]

    dn = (((1,), (1,)), ((), ()))
    x1 = jax.lax.dot_general(x, w1, dn, preferred_element_type=jnp.float32)
    x3 = jax.lax.dot_general(x, w3, dn, preferred_element_type=jnp.float32)
    h = x1 * jax.nn.sigmoid(x1) * x3
    eo_ref[0] += jax.lax.dot_general(h, w2, dn, preferred_element_type=jnp.float32)


def _combine_kernel(s_ref, eo_ref, out_ref):
    out_ref[...] = jnp.sum(s_ref[...] * eo_ref[...], axis=0)


def kernel(x, expert_indices, expert_weights, w1, w2, w3):
    eo = pl.pallas_call(
        _ffn_kernel,
        grid=(E, NJ),
        in_specs=[
            pl.BlockSpec((T, DIM), lambda e, j: (0, 0)),
            pl.BlockSpec((1, IB, DIM), lambda e, j: (e, j, 0)),
            pl.BlockSpec((1, IB, DIM), lambda e, j: (e, j, 0)),
            pl.BlockSpec((1, DIM, IB), lambda e, j: (e, 0, j)),
        ],
        out_specs=pl.BlockSpec((1, T, DIM), lambda e, j: (e, 0, 0)),
        out_shape=jax.ShapeDtypeStruct((E, T, DIM), jnp.float32),
    )(x, w1, w3, w2)
    s = _routing_scales(expert_indices, expert_weights)
    return pl.pallas_call(
        _combine_kernel,
        out_shape=jax.ShapeDtypeStruct((T, DIM), jnp.float32),
    )(s, eo)

# --- scband reference (transcript-rebuilt; emitter-appended) ---
"""Pipeline reference for scband-conditional-feed-forward-70901320122871 (READ-ONLY COPY).

The authoritative reference and input builder live on the scoring server;
editing this copy changes nothing except your own understanding.
"""

import jax, jax.numpy as jnp
import numpy as np

T = 32
DIM = 1024
INTER = 2048
E = 16
TOPK = 2

def setup_inputs(seed: int = 0) -> dict:
    key = jax.random.key(seed)
    k_x, k_idx, k_w, k_w1, k_w2, k_w3 = jax.random.split(key, 6)
    x = jax.random.normal(k_x, (T, DIM), dtype=jnp.float32)
    expert_indices = jax.random.randint(k_idx, (T, TOPK), 0, E, dtype=jnp.int64)
    expert_weights = jax.random.uniform(k_w, (T, TOPK), dtype=jnp.float32)
    w1 = jax.random.normal(k_w1, (E, INTER, DIM), dtype=jnp.float32) * 0.02
    w2 = jax.random.normal(k_w2, (E, DIM, INTER), dtype=jnp.float32) * 0.02
    w3 = jax.random.normal(k_w3, (E, INTER, DIM), dtype=jnp.float32) * 0.02
    return {"x": x, "expert_indices": expert_indices, "expert_weights": expert_weights, "w1": w1, "w2": w2, "w3": w3}

def reference(x, expert_indices, expert_weights, w1, w2, w3):
    # gather per-token expert weight slices (SparseCore-style gather)
    w1_weights = jnp.take(w1, expert_indices, axis=0)  # [T, k, inter, dim]
    w3_weights = jnp.take(w3, expert_indices, axis=0)  # [T, k, inter, dim]
    w2_weights = jnp.take(w2, expert_indices, axis=0)  # [T, k, dim, inter]
    x1 = jax.nn.silu(jnp.einsum('ti,taoi->tao', x, w1_weights))
    x3 = jnp.einsum('ti,taoi->tao', x, w3_weights)
    expert_outs = jnp.einsum('tao,taio->tai', x1 * x3, w2_weights)
    out = jnp.einsum('tai,ta->ti', expert_outs, expert_weights)
    return out

if __name__ == "__main__":
    import jax
    _d = setup_inputs()
    print(jax.jit(kernel)(*tuple(_d.values())))

</pallas_src>

<mosaic_0001>
#map = affine_map<(d0, d1) -> (0)>
module attributes {stable_mosaic.version = 14 : i64} {
  func.func @_scale_sc_kernel(%arg0: i32, %arg1: i32, %arg2: memref<128xi32, #tpu.memory_space<hbm>>, %arg3: memref<512xf32, #tpu.memory_space<hbm>>, %arg4: memref<128xi32, #tpu.memory_space<vmem>>, %arg5: memref<512xf32, #tpu.memory_space<vmem>>) attributes {dimension_semantics = [#tpu.dimension_semantics<core_parallel>, #tpu.dimension_semantics<subcore_parallel>], iteration_bounds = array<i64: 1, 16>, scalar_prefetch = 0 : i64, scratch_operands = 2 : i64, tpu.core_type = #tpu.core_type<sc_vector_subcore>, window_params = [{transform_indices = #map}, {transform_indices = #map}]} {
    %eq3A = arith.constant 0 : i32
    %eq3A_0 = arith.cmpi eq, %arg0, %eq3A : i32
    %eq3A_1 = arith.constant 0 : i32
    %eq3A_2 = arith.cmpi eq, %arg1, %eq3A_1 : i32
    %and3A = arith.andi %eq3A_0, %eq3A_2 : i1
    %convert_element_type3A = arith.extui %and3A : i1 to i32
    %cond3A = arith.constant 0 : i32
    %cond3A_3 = arith.cmpi ne, %convert_element_type3A, %cond3A : i32
    scf.if %cond3A_3 {
      "tpu.region"() ({
        %run_scoped3A = tpu.sem_alloc : memref<!tpu.dma_semaphore, #tpu.memory_space<semaphore_mem>>
        tpu.enqueue_dma source(%arg2 : memref<128xi32, #tpu.memory_space<hbm>>) target(%arg4 : memref<128xi32, #tpu.memory_space<vmem>>) target_semaphore(%run_scoped3A : memref<!tpu.dma_semaphore, #tpu.memory_space<semaphore_mem>>)
        tpu.wait_dma2 semaphore(%run_scoped3A : memref<!tpu.dma_semaphore, #tpu.memory_space<semaphore_mem>>) src(%arg2 : memref<128xi32, #tpu.memory_space<hbm>>) dst(%arg4 : memref<128xi32, #tpu.memory_space<vmem>>)
        tpu.yield
      }) : () -> ()
      %broadcast_in_dim3A = arith.constant 0.000000e+00 : f32
      %broadcast_in_dim3A_4 = vector.broadcast %broadcast_in_dim3A : f32 to vector<16xf32>
      %swap3A = arith.constant 0 : index
      %swap3A_5 = tpu.vector_load %arg5[%swap3A] {strides = array<i32>} : memref<512xf32, #tpu.memory_space<vmem>>, vector<16xf32>,
      tpu.vector_store %arg5[%swap3A], %broadcast_in_dim3A_4 {strides = array<i32>} : memref<512xf32, #tpu.memory_space<vmem>>, vector<16xf32>,
      %broadcast_in_dim3A_6 = arith.constant 0.000000e+00 : f32
      %broadcast_in_dim3A_7 = vector.broadcast %broadcast_in_dim3A_6 : f32 to vector<16xf32>
      %swap3A_8 = arith.constant 16 : index
      %swap3A_9 = tpu.vector_load %arg5[%swap3A_8] {strides = array<i32>} : memref<512xf32, #tpu.memory_space<vmem>>, vector<16xf32>,
      tpu.vector_store %arg5[%swap3A_8], %broadcast_in_dim3A_7 {strides = array<i32>} : memref<512xf32, #tpu.memory_space<vmem>>, vector<16xf32>,
      %broadcast_in_dim3A_10 = arith.constant 0.000000e+00 : f32
      %broadcast_in_dim3A_11 = vector.broadcast %broadcast_in_dim3A_10 : f32 to vector<16xf32>
      %swap3A_12 = arith.constant 32 : index
      %swap3A_13 = tpu.vector_load %arg5[%swap3A_12] {strides = array<i32>} : memref<512xf32, #tpu.memory_space<vmem>>, vector<16xf32>,
      tpu.vector_store %arg5[%swap3A_12], %broadcast_in_dim3A_11 {strides = array<i32>} : memref<512xf32, #tpu.memory_space<vmem>>, vector<16xf32>,
      %broadcast_in_dim3A_14 = arith.constant 0.000000e+00 : f32
      %broadcast_in_dim3A_15 = vector.broadcast %broadcast_in_dim3A_14 : f32 to vector<16xf32>
      %swap3A_16 = arith.constant 48 : index
      %swap3A_17 = tpu.vector_load %arg5[%swap3A_16] {strides = array<i32>} : memref<512xf32, #tpu.memory_space<vmem>>, vector<16xf32>,
      tpu.vector_store %arg5[%swap3A_16], %broadcast_in_dim3A_15 {strides = array<i32>} : memref<512xf32, #tpu.memory_space<vmem>>, vector<16xf32>,
      %broadcast_in_dim3A_18 = arith.constant 0.000000e+00 : f32
      %broadcast_in_dim3A_19 = vector.broadcast %broadcast_in_dim3A_18 : f32 to vector<16xf32>
      %swap3A_20 = arith.constant 64 : index
      %swap3A_21 = tpu.vector_load %arg5[%swap3A_20] {strides = array<i32>} : memref<512xf32, #tpu.memory_space<vmem>>, vector<16xf32>,
      tpu.vector_store %arg5[%swap3A_20], %broadcast_in_dim3A_19 {strides = array<i32>} : memref<512xf32, #tpu.memory_space<vmem>>, vector<16xf32>,
      %broadcast_in_dim3A_22 = arith.constant 0.000000e+00 : f32
      %broadcast_in_dim3A_23 = vector.broadcast %broadcast_in_dim3A_22 : f32 to vector<16xf32>
      %swap3A_24 = arith.constant 80 : index
      %swap3A_25 = tpu.vector_load %arg5[%swap3A_24] {strides = array<i32>} : memref<512xf32, #tpu.memory_space<vmem>>, vector<16xf32>,
      tpu.vector_store %arg5[%swap3A_24], %broadcast_in_dim3A_23 {strides = array<i32>} : memref<512xf32, #tpu.memory_space<vmem>>, vector<16xf32>,
      %broadcast_in_dim3A_26 = arith.constant 0.000000e+00 : f32
      %broadcast_in_dim3A_27 = vector.broadcast %broadcast_in_dim3A_26 : f32 to vector<16xf32>
      %swap3A_28 = arith.constant 96 : index
      %swap3A_29 = tpu.vector_load %arg5[%swap3A_28] {strides = array<i32>} : memref<512xf32, #tpu.memory_space<vmem>>, vector<16xf32>,
      tpu.vector_store %arg5[%swap3A_28], %broadcast_in_dim3A_27 {strides = array<i32>} : memref<512xf32, #tpu.memory_space<vmem>>, vector<16xf32>,
      %broadcast_in_dim3A_30 = arith.constant 0.000000e+00 : f32
      %broadcast_in_dim3A_31 = vector.broadcast %broadcast_in_dim3A_30 : f32 to vector<16xf32>
      %swap3A_32 = arith.constant 112 : index
      %swap3A_33 = tpu.vector_load %arg5[%swap3A_32] {strides = array<i32>} : memref<512xf32, #tpu.memory_space<vmem>>, vector<16xf32>,
      tpu.vector_store %arg5[%swap3A_32], %broadcast_in_dim3A_31 {strides = array<i32>} : memref<512xf32, #tpu.memory_space<vmem>>, vector<16xf32>,
      %broadcast_in_dim3A_34 = arith.constant 0.000000e+00 : f32
      %broadcast_in_dim3A_35 = vector.broadcast %broadcast_in_dim3A_34 : f32 to vector<16xf32>
      %swap3A_36 = arith.constant 128 : index
      %swap3A_37 = tpu.vector_load %arg5[%swap3A_36] {strides = array<i32>} : memref<512xf32, #tpu.memory_space<vmem>>, vector<16xf32>,
      tpu.vector_store %arg5[%swap3A_36], %broadcast_in_dim3A_35 {strides = array<i32>} : memref<512xf32, #tpu.memory_space<vmem>>, vector<16xf32>,
      %broadcast_in_dim3A_38 = arith.constant 0.000000e+00 : f32
      %broadcast_in_dim3A_39 = vector.broadcast %broadcast_in_dim3A_38 : f32 to vector<16xf32>
      %swap3A_40 = arith.constant 144 : index
      %swap3A_41 = tpu.vector_load %arg5[%swap3A_40] {strides = array<i32>} : memref<512xf32, #tpu.memory_space<vmem>>, vector<16xf32>,
      tpu.vector_store %arg5[%swap3A_40], %broadcast_in_dim3A_39 {strides = array<i32>} : memref<512xf32, #tpu.memory_space<vmem>>, vector<16xf32>,
      %broadcast_in_dim3A_42 = arith.constant 0.000000e+00 : f32
      %broadcast_in_dim3A_43 = vector.broadcast %broadcast_in_dim3A_42 : f32 to vector<16xf32>
      %swap3A_44 = arith.constant 160 : index
      %swap3A_45 = tpu.vector_load %arg5[%swap3A_44] {strides = array<i32>} : memref<512xf32, #tpu.memory_space<vmem>>, vector<16xf32>,
      tpu.vector_store %arg5[%swap3A_44], %broadcast_in_dim3A_43 {strides = array<i32>} : memref<512xf32, #tpu.memory_space<vmem>>, vector<16xf32>,
      %broadcast_in_dim3A_46 = arith.constant 0.000000e+00 : f32
      %broadcast_in_dim3A_47 = vector.broadcast %broadcast_in_dim3A_46 : f32 to vector<16xf32>
      %swap3A_48 = arith.constant 176 : index
      %swap3A_49 = tpu.vector_load %arg5[%swap3A_48] {strides = array<i32>} : memref<512xf32, #tpu.memory_space<vmem>>, vector<16xf32>,
      tpu.vector_store %arg5[%swap3A_48], %broadcast_in_dim3A_47 {strides = array<i32>} : memref<512xf32, #tpu.memory_space<vmem>>, vector<16xf32>,
      %broadcast_in_dim3A_50 = arith.constant 0.000000e+00 : f32
      %broadcast_in_dim3A_51 = vector.broadcast %broadcast_in_dim3A_50 : f32 to vector<16xf32>
      %swap3A_52 = arith.constant 192 : index
      %swap3A_53 = tpu.vector_load %arg5[%swap3A_52] {strides = array<i32>} : memref<512xf32, #tpu.memory_space<vmem>>, vector<16xf32>,
      tpu.vector_store %arg5[%swap3A_52], %broadcast_in_dim3A_51 {strides = array<i32>} : memref<512xf32, #tpu.memory_space<vmem>>, vector<16xf32>,
      %broadcast_in_dim3A_54 = arith.constant 0.000000e+00 : f32
      %broadcast_in_dim3A_55 = vector.broadcast %broadcast_in_dim3A_54 : f32 to vector<16xf32>
      %swap3A_56 = arith.constant 208 : index
      %swap3A_57 = tpu.vector_load %arg5[%swap3A_56] {strides = array<i32>} : memref<512xf32, #tpu.memory_space<vmem>>, vector<16xf32>,
      tpu.vector_store %arg5[%swap3A_56], %broadcast_in_dim3A_55 {strides = array<i32>} : memref<512xf32, #tpu.memory_space<vmem>>, vector<16xf32>,
      %broadcast_in_dim3A_58 = arith.constant 0.000000e+00 : f32
      %broadcast_in_dim3A_59 = vector.broadcast %broadcast_in_dim3A_58 : f32 to vector<16xf32>
      %swap3A_60 = arith.constant 224 : index
      %swap3A_61 = tpu.vector_load %arg5[%swap3A_60] {strides = array<i32>} : memref<512xf32, #tpu.memory_space<vmem>>, vector<16xf32>,
      tpu.vector_store %arg5[%swap3A_60], %broadcast_in_dim3A_59 {strides = array<i32>} : memref<512xf32, #tpu.memory_space<vmem>>, vector<16xf32>,
      %broadcast_in_dim3A_62 = arith.constant 0.000000e+00 : f32
      %broadcast_in_dim3A_63 = vector.broadcast %broadcast_in_dim3A_62 : f32 to vector<16xf32>
      %swap3A_64 = arith.constant 240 : index
      %swap3A_65 = tpu.vector_load %arg5[%swap3A_64] {strides = array<i32>} : memref<512xf32, #tpu.memory_space<vmem>>, vector<16xf32>,
      tpu.vector_store %arg5[%swap3A_64], %broadcast_in_dim3A_63 {strides = array<i32>} : memref<512xf32, #tpu.memory_space<vmem>>, vector<16xf32>,
      %broadcast_in_dim3A_66 = arith.constant 0.000000e+00 : f32
      %broadcast_in_dim3A_67 = vector.broadcast %broadcast_in_dim3A_66 : f32 to vector<16xf32>
      %swap3A_68 = arith.constant 256 : index
      %swap3A_69 = tpu.vector_load %arg5[%swap3A_68] {strides = array<i32>} : memref<512xf32, #tpu.memory_space<vmem>>, vector<16xf32>,
      tpu.vector_store %arg5[%swap3A_68], %broadcast_in_dim3A_67 {strides = array<i32>} : memref<512xf32, #tpu.memory_space<vmem>>, vector<16xf32>,
      %broadcast_in_dim3A_70 = arith.constant 0.000000e+00 : f32
      %broadcast_in_dim3A_71 = vector.broadcast %broadcast_in_dim3A_70 : f32 to vector<16xf32>
      %swap3A_72 = arith.constant 272 : index
      %swap3A_73 = tpu.vector_load %arg5[%swap3A_72] {strides = array<i32>} : memref<512xf32, #tpu.memory_space<vmem>>, vector<16xf32>,
      tpu.vector_store %arg5[%swap3A_72], %broadcast_in_dim3A_71 {strides = array<i32>} : memref<512xf32, #tpu.memory_space<vmem>>, vector<16xf32>,
      %broadcast_in_dim3A_74 = arith.constant 0.000000e+00 : f32
      %broadcast_in_dim3A_75 = vector.broadcast %broadcast_in_dim3A_74 : f32 to vector<16xf32>
      %swap3A_76 = arith.constant 288 : index
      %swap3A_77 = tpu.vector_load %arg5[%swap3A_76] {strides = array<i32>} : memref<512xf32, #tpu.memory_space<vmem>>, vector<16xf32>,
      tpu.vector_store %arg5[%swap3A_76], %broadcast_in_dim3A_75 {strides = array<i32>} : memref<512xf32, #tpu.memory_space<vmem>>, vector<16xf32>,
      %broadcast_in_dim3A_78 = arith.constant 0.000000e+00 : f32
      %broadcast_in_dim3A_79 = vector.broadcast %broadcast_in_dim3A_78 : f32 to vector<16xf32>
      %swap3A_80 = arith.constant 304 : index
      %swap3A_81 = tpu.vector_load %arg5[%swap3A_80] {strides = array<i32>} : memref<512xf32, #tpu.memory_space<vmem>>, vector<16xf32>,
      tpu.vector_store %arg5[%swap3A_80], %broadcast_in_dim3A_79 {strides = array<i32>} : memref<512xf32, #tpu.memory_space<vmem>>, vector<16xf32>,
      %broadcast_in_dim3A_82 = arith.constant 0.000000e+00 : f32
      %broadcast_in_dim3A_83 = vector.broadcast %broadcast_in_dim3A_82 : f32 to vector<16xf32>
      %swap3A_84 = arith.constant 320 : index
      %swap3A_85 = tpu.vector_load %arg5[%swap3A_84] {strides = array<i32>} : memref<512xf32, #tpu.memory_space<vmem>>, vector<16xf32>,
      tpu.vector_store %arg5[%swap3A_84], %broadcast_in_dim3A_83 {strides = array<i32>} : memref<512xf32, #tpu.memory_space<vmem>>, vector<16xf32>,
      %broadcast_in_dim3A_86 = arith.constant 0.000000e+00 : f32
      %broadcast_in_dim3A_87 = vector.broadcast %broadcast_in_dim3A_86 : f32 to vector<16xf32>
      %swap3A_88 = arith.constant 336 : index
      %swap3A_89 = tpu.vector_load %arg5[%swap3A_88] {strides = array<i32>} : memref<512xf32, #tpu.memory_space<vmem>>, vector<16xf32>,
      tpu.vector_store %arg5[%swap3A_88], %broadcast_in_dim3A_87 {strides = array<i32>} : memref<512xf32, #tpu.memory_space<vmem>>, vector<16xf32>,
      %broadcast_in_dim3A_90 = arith.constant 0.000000e+00 : f32
      %broadcast_in_dim3A_91 = vector.broadcast %broadcast_in_dim3A_90 : f32 to vector<16xf32>
      %swap3A_92 = arith.constant 352 : index
      %swap3A_93 = tpu.vector_load %arg5[%swap3A_92] {strides = array<i32>} : memref<512xf32, #tpu.memory_space<vmem>>, vector<16xf32>,
      tpu.vector_store %arg5[%swap3A_92], %broadcast_in_dim3A_91 {strides = array<i32>} : memref<512xf32, #tpu.memory_space<vmem>>, vector<16xf32>,
      %broadcast_in_dim3A_94 = arith.constant 0.000000e+00 : f32
      %broadcast_in_dim3A_95 = vector.broadcast %broadcast_in_dim3A_94 : f32 to vector<16xf32>
      %swap3A_96 = arith.constant 368 : index
      %swap3A_97 = tpu.vector_load %arg5[%swap3A_96] {strides = array<i32>} : memref<512xf32, #tpu.memory_space<vmem>>, vector<16xf32>,
      tpu.vector_store %arg5[%swap3A_96], %broadcast_in_dim3A_95 {strides = array<i32>} : memref<512xf32, #tpu.memory_space<vmem>>, vector<16xf32>,
      %broadcast_in_dim3A_98 = arith.constant 0.000000e+00 : f32
      %broadcast_in_dim3A_99 = vector.broadcast %broadcast_in_dim3A_98 : f32 to vector<16xf32>
      %swap3A_100 = arith.constant 384 : index
      %swap3A_101 = tpu.vector_load %arg5[%swap3A_100] {strides = array<i32>} : memref<512xf32, #tpu.memory_space<vmem>>, vector<16xf32>,
      tpu.vector_store %arg5[%swap3A_100], %broadcast_in_dim3A_99 {strides = array<i32>} : memref<512xf32, #tpu.memory_space<vmem>>, vector<16xf32>,
      %broadcast_in_dim3A_102 = arith.constant 0.000000e+00 : f32
      %broadcast_in_dim3A_103 = vector.broadcast %broadcast_in_dim3A_102 : f32 to vector<16xf32>
      %swap3A_104 = arith.constant 400 : index
      %swap3A_105 = tpu.vector_load %arg5[%swap3A_104] {strides = array<i32>} : memref<512xf32, #tpu.memory_space<vmem>>, vector<16xf32>,
      tpu.vector_store %arg5[%swap3A_104], %broadcast_in_dim3A_103 {strides = array<i32>} : memref<512xf32, #tpu.memory_space<vmem>>, vector<16xf32>,
      %broadcast_in_dim3A_106 = arith.constant 0.000000e+00 : f32
      %broadcast_in_dim3A_107 = vector.broadcast %broadcast_in_dim3A_106 : f32 to vector<16xf32>
      %swap3A_108 = arith.constant 416 : index
      %swap3A_109 = tpu.vector_load %arg5[%swap3A_108] {strides = array<i32>} : memref<512xf32, #tpu.memory_space<vmem>>, vector<16xf32>,
      tpu.vector_store %arg5[%swap3A_108], %broadcast_in_dim3A_107 {strides = array<i32>} : memref<512xf32, #tpu.memory_space<vmem>>, vector<16xf32>,
      %broadcast_in_dim3A_110 = arith.constant 0.000000e+00 : f32
      %broadcast_in_dim3A_111 = vector.broadcast %broadcast_in_dim3A_110 : f32 to vector<16xf32>
      %swap3A_112 = arith.constant 432 : index
      %swap3A_113 = tpu.vector_load %arg5[%swap3A_112] {strides = array<i32>} : memref<512xf32, #tpu.memory_space<vmem>>, vector<16xf32>,
      tpu.vector_store %arg5[%swap3A_112], %broadcast_in_dim3A_111 {strides = array<i32>} : memref<512xf32, #tpu.memory_space<vmem>>, vector<16xf32>,
      %broadcast_in_dim3A_114 = arith.constant 0.000000e+00 : f32
      %broadcast_in_dim3A_115 = vector.broadcast %broadcast_in_dim3A_114 : f32 to vector<16xf32>
      %swap3A_116 = arith.constant 448 : index
      %swap3A_117 = tpu.vector_load %arg5[%swap3A_116] {strides = array<i32>} : memref<512xf32, #tpu.memory_space<vmem>>, vector<16xf32>,
      tpu.vector_store %arg5[%swap3A_116], %broadcast_in_dim3A_115 {strides = array<i32>} : memref<512xf32, #tpu.memory_space<vmem>>, vector<16xf32>,
      %broadcast_in_dim3A_118 = arith.constant 0.000000e+00 : f32
      %broadcast_in_dim3A_119 = vector.broadcast %broadcast_in_dim3A_118 : f32 to vector<16xf32>
      %swap3A_120 = arith.constant 464 : index
      %swap3A_121 = tpu.vector_load %arg5[%swap3A_120] {strides = array<i32>} : memref<512xf32, #tpu.memory_space<vmem>>, vector<16xf32>,
      tpu.vector_store %arg5[%swap3A_120], %broadcast_in_dim3A_119 {strides = array<i32>} : memref<512xf32, #tpu.memory_space<vmem>>, vector<16xf32>,
      %broadcast_in_dim3A_122 = arith.constant 0.000000e+00 : f32
      %broadcast_in_dim3A_123 = vector.broadcast %broadcast_in_dim3A_122 : f32 to vector<16xf32>
      %swap3A_124 = arith.constant 480 : index
      %swap3A_125 = tpu.vector_load %arg5[%swap3A_124] {strides = array<i32>} : memref<512xf32, #tpu.memory_space<vmem>>, vector<16xf32>,
      tpu.vector_store %arg5[%swap3A_124], %broadcast_in_dim3A_123 {strides = array<i32>} : memref<512xf32, #tpu.memory_space<vmem>>, vector<16xf32>,
      %broadcast_in_dim3A_126 = arith.constant 0.000000e+00 : f32
      %broadcast_in_dim3A_127 = vector.broadcast %broadcast_in_dim3A_126 : f32 to vector<16xf32>
      %swap3A_128 = arith.constant 496 : index
      %swap3A_129 = tpu.vector_load %arg5[%swap3A_128] {strides = array<i32>} : memref<512xf32, #tpu.memory_space<vmem>>, vector<16xf32>,
      tpu.vector_store %arg5[%swap3A_128], %broadcast_in_dim3A_127 {strides = array<i32>} : memref<512xf32, #tpu.memory_space<vmem>>, vector<16xf32>,
      %iota3A = tpu.iota {dimensions = array<i32: 0>} : vector<16xi32>
      %add3A = arith.constant 0 : i32
      %add3A_130 = vector.broadcast %add3A : i32 to vector<16xi32>
      %add3A_131 = arith.addi %add3A_130, %iota3A : vector<16xi32>
      %shift_right_logical3A = arith.constant 1 : i32
      %shift_right_logical3A_132 = vector.broadcast %shift_right_logical3A : i32 to vector<16xi32>
      %shift_right_logical3A_133 = arith.shrui %add3A_131, %shift_right_logical3A_132 : vector<16xi32>
      %get3A = arith.constant 0 : index
      %get3A_134 = tpu.vector_load %arg4[%get3A] {strides = array<i32>} : memref<128xi32, #tpu.memory_space<vmem>>, vector<16xi32>,
      %mul3A = arith.constant 32 : i32
      %mul3A_135 = vector.broadcast %mul3A : i32 to vector<16xi32>
      %mul3A_136 = arith.muli %get3A_134, %mul3A_135 : vector<16xi32>
      %add3A_137 = arith.addi %mul3A_136, %shift_right_logical3A_133 : vector<16xi32>
      %get3A_138 = arith.constant 64 : index
      %get3A_139 = tpu.vector_load %arg4[%get3A_138] {strides = array<i32>} : memref<128xi32, #tpu.memory_space<vmem>>, vector<16xi32>,
      %bitcast3A = vector.bitcast %get3A_139 : vector<16xi32> to vector<16xf32>
      tpu.vector_store_idx %arg5[%add3A_137], %bitcast3A {add = true} : memref<512xf32, #tpu.memory_space<vmem>>[vector<16xi32>], vector<16xf32>,
      %iota3A_140 = tpu.iota {dimensions = array<i32: 0>} : vector<16xi32>
      %add3A_141 = arith.constant 16 : i32
      %add3A_142 = vector.broadcast %add3A_141 : i32 to vector<16xi32>
      %add3A_143 = arith.addi %add3A_142, %iota3A_140 : vector<16xi32>
      %shift_right_logical3A_144 = arith.constant 1 : i32
      %shift_right_logical3A_145 = vector.broadcast %shift_right_logical3A_144 : i32 to vector<16xi32>
      %shift_right_logical3A_146 = arith.shrui %add3A_143, %shift_right_logical3A_145 : vector<16xi32>
      %get3A_147 = arith.constant 16 : index
      %get3A_148 = tpu.vector_load %arg4[%get3A_147] {strides = array<i32>} : memref<128xi32, #tpu.memory_space<vmem>>, vector<16xi32>,
      %mul3A_149 = arith.constant 32 : i32
      %mul3A_150 = vector.broadcast %mul3A_149 : i32 to vector<16xi32>
      %mul3A_151 = arith.muli %get3A_148, %mul3A_150 : vector<16xi32>
      %add3A_152 = arith.addi %mul3A_151, %shift_right_logical3A_146 : vector<16xi32>
      %get3A_153 = arith.constant 80 : index
      %get3A_154 = tpu.vector_load %arg4[%get3A_153] {strides = array<i32>} : memref<128xi32, #tpu.memory_space<vmem>>, vector<16xi32>,
      %bitcast3A_155 = vector.bitcast %get3A_154 : vector<16xi32> to vector<16xf32>
      tpu.vector_store_idx %arg5[%add3A_152], %bitcast3A_155 {add = true} : memref<512xf32, #tpu.memory_space<vmem>>[vector<16xi32>], vector<16xf32>,
      %iota3A_156 = tpu.iota {dimensions = array<i32: 0>} : vector<16xi32>
      %add3A_157 = arith.constant 32 : i32
      %add3A_158 = vector.broadcast %add3A_157 : i32 to vector<16xi32>
      %add3A_159 = arith.addi %add3A_158, %iota3A_156 : vector<16xi32>
      %shift_right_logical3A_160 = arith.constant 1 : i32
      %shift_right_logical3A_161 = vector.broadcast %shift_right_logical3A_160 : i32 to vector<16xi32>
      %shift_right_logical3A_162 = arith.shrui %add3A_159, %shift_right_logical3A_161 : vector<16xi32>
      %get3A_163 = arith.constant 32 : index
      %get3A_164 = tpu.vector_load %arg4[%get3A_163] {strides = array<i32>} : memref<128xi32, #tpu.memory_space<vmem>>, vector<16xi32>,
      %mul3A_165 = arith.constant 32 : i32
      %mul3A_166 = vector.broadcast %mul3A_165 : i32 to vector<16xi32>
      %mul3A_167 = arith.muli %get3A_164, %mul3A_166 : vector<16xi32>
      %add3A_168 = arith.addi %mul3A_167, %shift_right_logical3A_162 : vector<16xi32>
      %get3A_169 = arith.constant 96 : index
      %get3A_170 = tpu.vector_load %arg4[%get3A_169] {strides = array<i32>} : memref<128xi32, #tpu.memory_space<vmem>>, vector<16xi32>,
      %bitcast3A_171 = vector.bitcast %get3A_170 : vector<16xi32> to vector<16xf32>
      tpu.vector_store_idx %arg5[%add3A_168], %bitcast3A_171 {add = true} : memref<512xf32, #tpu.memory_space<vmem>>[vector<16xi32>], vector<16xf32>,
      %iota3A_172 = tpu.iota {dimensions = array<i32: 0>} : vector<16xi32>
      %add3A_173 = arith.constant 48 : i32
      %add3A_174 = vector.broadcast %add3A_173 : i32 to vector<16xi32>
      %add3A_175 = arith.addi %add3A_174, %iota3A_172 : vector<16xi32>
      %shift_right_logical3A_176 = arith.constant 1 : i32
      %shift_right_logical3A_177 = vector.broadcast %shift_right_logical3A_176 : i32 to vector<16xi32>
      %shift_right_logical3A_178 = arith.shrui %add3A_175, %shift_right_logical3A_177 : vector<16xi32>
      %get3A_179 = arith.constant 48 : index
      %get3A_180 = tpu.vector_load %arg4[%get3A_179] {strides = array<i32>} : memref<128xi32, #tpu.memory_space<vmem>>, vector<16xi32>,
      %mul3A_181 = arith.constant 32 : i32
      %mul3A_182 = vector.broadcast %mul3A_181 : i32 to vector<16xi32>
      %mul3A_183 = arith.muli %get3A_180, %mul3A_182 : vector<16xi32>
      %add3A_184 = arith.addi %mul3A_183, %shift_right_logical3A_178 : vector<16xi32>
      %get3A_185 = arith.constant 112 : index
      %get3A_186 = tpu.vector_load %arg4[%get3A_185] {strides = array<i32>} : memref<128xi32, #tpu.memory_space<vmem>>, vector<16xi32>,
      %bitcast3A_187 = vector.bitcast %get3A_186 : vector<16xi32> to vector<16xf32>
      tpu.vector_store_idx %arg5[%add3A_184], %bitcast3A_187 {add = true} : memref<512xf32, #tpu.memory_space<vmem>>[vector<16xi32>], vector<16xf32>,
      "tpu.region"() ({
        %run_scoped3A = tpu.sem_alloc : memref<!tpu.dma_semaphore, #tpu.memory_space<semaphore_mem>>
        tpu.enqueue_dma source(%arg5 : memref<512xf32, #tpu.memory_space<vmem>>) target(%arg3 : memref<512xf32, #tpu.memory_space<hbm>>) target_semaphore(%run_scoped3A : memref<!tpu.dma_semaphore, #tpu.memory_space<semaphore_mem>>)
        tpu.wait_dma2 semaphore(%run_scoped3A : memref<!tpu.dma_semaphore, #tpu.memory_space<semaphore_mem>>) src(%arg5 : memref<512xf32, #tpu.memory_space<vmem>>) dst(%arg3 : memref<512xf32, #tpu.memory_space<hbm>>)
        tpu.yield
      }) : () -> ()
    } else {
    }
    return
  }
}

module attributes {stable_mosaic.version = 14 : i64} {
  func.func @_combine_kernel(%arg0: memref<16x32x1xf32, #tpu.memory_space<vmem>>, %arg1: memref<16x32x1024xf32, #tpu.memory_space<vmem>>, %arg2: memref<32x1024xf32, #tpu.memory_space<vmem>>) attributes {dimension_semantics = [], scalar_prefetch = 0 : i64, scratch_operands = 0 : i64, tpu.core_type = #tpu.core_type<tc>} {
    %get3A = arith.constant 0 : index
    %get3A_0 = arith.constant 0 : index
    %get3A_1 = arith.constant 0 : index
    %get3A_2 = vector.load %arg0[%get3A, %get3A_0, %get3A_1] : memref<16x32x1xf32, #tpu.memory_space<vmem>>, vector<16x32x1xf32>
    %get3A_3 = arith.constant 0 : index
    %get3A_4 = arith.constant 0 : index
    %get3A_5 = arith.constant 0 : index
    %get3A_6 = vector.load %arg1[%get3A_3, %get3A_4, %get3A_5] : memref<16x32x1024xf32, #tpu.memory_space<vmem>>, vector<16x32x1024xf32>
    %mul3A = vector.broadcast %get3A_2 : vector<16x32x1xf32> to vector<16x32x1024xf32>
    %mul3A_7 = arith.mulf %mul3A, %get3A_6 : vector<16x32x1024xf32>
    %reduce_sum3A = arith.constant dense<0.000000e+00> : vector<32x1024xf32>
    %reduce_sum3A_8 = vector.multi_reduction <add>, %mul3A_7, %reduce_sum3A [0] : vector<16x32x1024xf32> to vector<32x1024xf32>
    %swap3A = arith.constant 0 : index
    %swap3A_9 = arith.constant 0 : index
    %swap3A_10 = vector.load %arg2[%swap3A, %swap3A_9] : memref<32x1024xf32, #tpu.memory_space<vmem>>, vector<32x1024xf32>
    tpu.vector_store %arg2[%swap3A, %swap3A_9], %reduce_sum3A_8 {strides = array<i32>} : memref<32x1024xf32, #tpu.memory_space<vmem>>, vector<32x1024xf32>,
    return
  }
}

module attributes {stable_mosaic.version = 14 : i64} {
  func.func @_ffn_kernel(%arg0: i32, %arg1: i32, %arg2: memref<32x1024xf32, #tpu.memory_space<vmem>>, %arg3: memref<1x1024x1024xf32, #tpu.memory_space<vmem>>, %arg4: memref<1x1024x1024xf32, #tpu.memory_space<vmem>>, %arg5: memref<1x1024x1024xf32, #tpu.memory_space<vmem>>, %arg6: memref<1x32x1024xf32, #tpu.memory_space<vmem>>) attributes {dimension_semantics = [#tpu.dimension_semantics<arbitrary>, #tpu.dimension_semantics<arbitrary>], iteration_bounds = array<i64: 16, 2>, scalar_prefetch = 0 : i64, scratch_operands = 0 : i64, tpu.core_type = #tpu.core_type<tc>, window_params = [{pipeline_mode = #tpu.pipeline_mode<synchronous>, transform_indices = @transform_0, window_bounds = array<i64: 32, 1024>}, {transform_indices = @transform_1, window_bounds = array<i64: 1, 1024, 1024>}, {transform_indices = @transform_2, window_bounds = array<i64: 1, 1024, 1024>}, {transform_indices = @transform_3, window_bounds = array<i64: 1, 1024, 1024>}, {transform_indices = @transform_4, window_bounds = array<i64: 1, 32, 1024>}]} {
    %eq3A = arith.constant 0 : i32
    %eq3A_0 = arith.cmpi eq, %arg1, %eq3A : i32
    %convert_element_type3A = arith.extui %eq3A_0 : i1 to i32
    %cond3A = arith.constant 0 : i32
    %cond3A_1 = arith.cmpi ne, %convert_element_type3A, %cond3A : i32
    scf.if %cond3A_1 {
      %broadcast_in_dim3A = arith.constant 0.000000e+00 : f32
      %broadcast_in_dim3A_40 = vector.broadcast %broadcast_in_dim3A : f32 to vector<1x32x1024xf32>
      %swap3A_41 = arith.constant 0 : index
      %swap3A_42 = arith.constant 0 : index
      %swap3A_43 = arith.constant 0 : index
      %swap3A_44 = vector.load %arg6[%swap3A_41, %swap3A_42, %swap3A_43] : memref<1x32x1024xf32, #tpu.memory_space<vmem>>, vector<1x32x1024xf32>
      tpu.vector_store %arg6[%swap3A_41, %swap3A_42, %swap3A_43], %broadcast_in_dim3A_40 {strides = array<i32>} : memref<1x32x1024xf32, #tpu.memory_space<vmem>>, vector<1x32x1024xf32>,
    } else {
    }
    %get3A = arith.constant 0 : index
    %get3A_2 = arith.constant 0 : index
    %get3A_3 = vector.load %arg2[%get3A, %get3A_2] : memref<32x1024xf32, #tpu.memory_space<vmem>>, vector<32x1024xf32>
    %get3A_4 = arith.constant 0 : index
    %get3A_5 = arith.constant 0 : index
    %get3A_6 = arith.constant 0 : index
    %get3A_7 = vector.load %arg3[%get3A_4, %get3A_5, %get3A_6] : memref<1x1024x1024xf32, #tpu.memory_space<vmem>>, vector<1x1024x1024xf32>
    %get3A_8 = vector.shape_cast %get3A_7 : vector<1x1024x1024xf32> to vector<1024x1024xf32>
    %get3A_9 = arith.constant 0 : index
    %get3A_10 = arith.constant 0 : index
    %get3A_11 = arith.constant 0 : index
    %get3A_12 = vector.load %arg4[%get3A_9, %get3A_10, %get3A_11] : memref<1x1024x1024xf32, #tpu.memory_space<vmem>>, vector<1x1024x1024xf32>
    %get3A_13 = vector.shape_cast %get3A_12 : vector<1x1024x1024xf32> to vector<1024x1024xf32>
    %get3A_14 = arith.constant 0 : index
    %get3A_15 = arith.constant 0 : index
    %get3A_16 = arith.constant 0 : index
    %get3A_17 = vector.load %arg5[%get3A_14, %get3A_15, %get3A_16] : memref<1x1024x1024xf32, #tpu.memory_space<vmem>>, vector<1x1024x1024xf32>
    %get3A_18 = vector.shape_cast %get3A_17 : vector<1x1024x1024xf32> to vector<1024x1024xf32>
    %dot_general3A = arith.constant dense<0.000000e+00> : vector<32x1024xf32>
    %dot_general3A_19 = tpu.matmul %get3A_3, %get3A_8, %dot_general3A {dimension_numbers = #tpu.dot_dimension_numbers<[1], [1], [0], [0], [0, 0, 1, 0], [], []>, transpose_lhs_hint = false} : vector<32x1024xf32>, vector<1024x1024xf32>, vector<32x1024xf32> -> vector<32x1024xf32>
    %dot_general3A_20 = arith.constant dense<0.000000e+00> : vector<32x1024xf32>
    %dot_general3A_21 = tpu.matmul %get3A_3, %get3A_13, %dot_general3A_20 {dimension_numbers = #tpu.dot_dimension_numbers<[1], [1], [0], [0], [0, 0, 1, 0], [], []>, transpose_lhs_hint = false} : vector<32x1024xf32>, vector<1024x1024xf32>, vector<32x1024xf32> -> vector<32x1024xf32>
    %logistic3A = arith.negf %dot_general3A_19 : vector<32x1024xf32>
    %logistic3A_22 = math.exp %logistic3A : vector<32x1024xf32>
    %logistic3A_23 = arith.constant 1.000000e+00 : f32
    %logistic3A_24 = vector.broadcast %logistic3A_23 : f32 to vector<32x1024xf32>
    %logistic3A_25 = arith.addf %logistic3A_24, %logistic3A_22 : vector<32x1024xf32>
    %logistic3A_26 = arith.divf %logistic3A_24, %logistic3A_25 : vector<32x1024xf32>
    %mul3A = arith.mulf %dot_general3A_19, %logistic3A_26 : vector<32x1024xf32>
    %mul3A_27 = arith.mulf %mul3A, %dot_general3A_21 : vector<32x1024xf32>
    %get3A_28 = arith.constant 0 : index
    %get3A_29 = arith.constant 0 : index
    %get3A_30 = arith.constant 0 : index
    %get3A_31 = vector.load %arg6[%get3A_28, %get3A_29, %get3A_30] : memref<1x32x1024xf32, #tpu.memory_space<vmem>>, vector<1x32x1024xf32>
    %get3A_32 = vector.shape_cast %get3A_31 : vector<1x32x1024xf32> to vector<32x1024xf32>
    %dot_general3A_33 = arith.constant dense<0.000000e+00> : vector<32x1024xf32>
    %dot_general3A_34 = tpu.matmul %mul3A_27, %get3A_18, %dot_general3A_33 {dimension_numbers = #tpu.dot_dimension_numbers<[1], [1], [0], [0], [0, 0, 1, 0], [], []>, transpose_lhs_hint = false} : vector<32x1024xf32>, vector<1024x1024xf32>, vector<32x1024xf32> -> vector<32x1024xf32>
    %add3A = arith.addf %get3A_32, %dot_general3A_34 : vector<32x1024xf32>
    %swap3A = arith.constant 0 : index
    %swap3A_35 = arith.constant 0 : index
    %swap3A_36 = arith.constant 0 : index
    %swap3A_37 = vector.load %arg6[%swap3A, %swap3A_35, %swap3A_36] : memref<1x32x1024xf32, #tpu.memory_space<vmem>>, vector<1x32x1024xf32>
    %swap3A_38 = vector.shape_cast %swap3A_37 : vector<1x32x1024xf32> to vector<32x1024xf32>
    %swap3A_39 = vector.shape_cast %add3A : vector<32x1024xf32> to vector<1x32x1024xf32>
    tpu.vector_store %arg6[%swap3A, %swap3A_35, %swap3A_36], %swap3A_39 {strides = array<i32>} : memref<1x32x1024xf32, #tpu.memory_space<vmem>>, vector<1x32x1024xf32>,
    return
  }
  func.func @transform_0(%arg0: i32, %arg1: i32) -> (i32, i32) {
    %c0_i32 = arith.constant 0 : i32
    %c0_i32_0 = arith.constant 0 : i32
    %c0_i32_1 = arith.constant 0 : i32
    return %c0_i32, %c0_i32_0 : i32, i32
  }
  func.func @transform_1(%arg0: i32, %arg1: i32) -> (i32, i32, i32) {
    %c0_i32 = arith.constant 0 : i32
    %c0_i32_0 = arith.constant 0 : i32
    return %arg0, %arg1, %c0_i32 : i32, i32, i32
  }
  func.func @transform_2(%arg0: i32, %arg1: i32) -> (i32, i32, i32) {
    %c0_i32 = arith.constant 0 : i32
    %c0_i32_0 = arith.constant 0 : i32
    return %arg0, %arg1, %c0_i32 : i32, i32, i32
  }
  func.func @transform_3(%arg0: i32, %arg1: i32) -> (i32, i32, i32) {
    %c0_i32 = arith.constant 0 : i32
    %c0_i32_0 = arith.constant 0 : i32
    return %arg0, %c0_i32, %arg1 : i32, i32, i32
  }
  func.func @transform_4(%arg0: i32, %arg1: i32) -> (i32, i32, i32) {
    %c0_i32 = arith.constant 0 : i32
    %c0_i32_0 = arith.constant 0 : i32
    %c0_i32_1 = arith.constant 0 : i32
    return %arg0, %c0_i32, %c0_i32_0 : i32, i32, i32
  }
}

</mosaic_0001>

<sc_bundles>
// kernel: kernel.5.cloned.1.call-start
scs
__scs_entry_jumppad:
0x0: {  	(pc) =	sbr.rel $0x88, $3  }
0x1: {  	(tag) =	ssettag $0x0;
	lr =	simm.s32 $0x1  }
0x2: {  	[smem:$0x3F9B] =	sst lr;
	_ =	strace $0xD0000000  }
0x3: {  	_ = 	snop  }
0x4: {  	_ = 	snop  }
0x5: {  	_ = 	snop  }
0x6: {  	_ = 	snop  }
0x7: {  	_ = 	snop  }
__scs_overlays_trampoline_lowered:
0x8: {  	[smem:$0x3FAA] =	sst s0  }
0x9: {  	[smem:$0x3FAB] =	sst s1  }
0xa: {  	[smem:$0x3FAC] =	sst s2  }
0xb: {  	[smem:$0x3FAD] =	sst s3  }
0xc: {  	[smem:$0x3FAE] =	sst s4  }
0xd: {  	[smem:$0x3FAF] =	sst s5  }
0xe: {  	[smem:$0x3FB0] =	sst s6  }
0xf: {  	[smem:$0x3FB1] =	sst s7  }
0x10: {  	[smem:$0x3FB2] =	sst s8  }
0x11: {  	[smem:$0x3FB3] =	sst s9;
	s0 =	simm.s32 @!p0 $0x0  }
0x12: {  	s1 =	sld [smem:$0x3F99];
	s0 =	simm.s32 @p0 $0x1  }
0x13: {  	[smem:$0x3FB4] =	sst s0;
	s0 =	simm.s32 @!p1 $0x0  }
0x14: {  	s2 =	sld [smem:$0x3F98];
	s0 =	simm.s32 @p1 $0x1  }
0x15: {  	[smem:$0x3FB5] =	sst s0;
	s0 =	simm.s32 @!p2 $0x0  }
0x16: {  	s3 =	sld [smem:$0x3FDB];
	s0 =	simm.s32 @p2 $0x1  }
0x17: {  	s4 =	simm.s32 $0x1BF5;
	[smem:$0x3FB7] =	sst s0  }
0x18: {  	s0 =	sld [smem:$0x3F9A];
	_ =	swait.ge [sflag:s4], $0x0  }
0x19: {  	s7 =	sld [smem:$0x3F9B]  }
0x1a: {  	s8 =	sadd.s32 $0xFFFFE003, lr  }
0x1b: {  	s9 =	sadd.s32 $0xFFFFFEF7, lr;
	s5 =	simm.s32 $0xFFFFFFFF;
	p2 =	slt.u32 s8, $0xFFFFF086  }
0x1c: {  	p1 =	slt.u32 s9, $0xF7A;
	s5 =	simm.s32 @!p2 $0x0  }
0x1d: {  	s5 =	simm.s32 @p1 $0x1;
	p0 =	seq.s32 s7, s2  }
0x1e: {  	s7 =	smul.u32 @!p0 $0xF7A, s2;
	p2 =	seq.s32 @!p0 s5, $0x0  }
0x1f: {  	s9 =	smul.u32 $0xF7A, s1;
	s8 =	simm.s32 @!p0 $0x1BF5;
	p2 =	por !p2, p0  }
0x20: {  	[sflag:s8] =	ssyncset.s32 @!p0 $0xFFFFF086;
	s6 =	sadd.s32 @!p0 s3, s7;
	s7 =	simm.s32 @!p0 $0x108  }
0x21: {  	s3 =	sadd.s32 s3, s9;
	s6 =	sadd.s32 @!p0 $0x88, s6;
	s7 =	simm.s32 @p2 $0x1082  }
0x22: {  	[simem:s7], [sflag:s8] =	dma.local @!p0 [hbm:s6], $0xF7A  }
0x23: {  	s9 =	sor.u32 $0xD0000000, s2;
	s6 =	simm.s32 $0x108;
	_ =	swait.ge @!p0 [sflag:s8], $0x0  }
0x24: {  	s3 =	sadd.s32 $0x88, s3;
	s6 =	simm.s32 @!p1 $0x1082;
	[sflag:s4] =	ssyncset.s32 $0xFFFFF086  }
0x25: {  	[simem:s6], [sflag:s4] =	dma.local [hbm:s3], $0xF7A  }
0x26: {  	[smem:$0x3F9B] =	sst s1;
	(tag) =	ssettag s2;
	_ =	strace s9  }
0x27: {  	s1 =	sld [smem:$0x3FAB]  }
0x28: {  	s2 =	sld [smem:$0x3FAC]  }
0x29: {  	s4 =	sld [smem:$0x3FAE]  }
0x2a: {  	p0 =	seq.s32 s5, $0x0;
	s5 =	sld [smem:$0x3FAF]  }
0x2b: {  	s6 =	sld [smem:$0x3FB0]  }
0x2c: {  	s7 =	sld [smem:$0x3FB1]  }
0x2d: {  	s3 =	simm.s32 $0x108;
	s8 =	sld [smem:$0x3FB2]  }
0x2e: {  	s3 =	simm.s32 @!p0 $0x1082;
	s9 =	sld [smem:$0x3FB3]  }
0x2f: {  	lr =	sadd.s32 s0, s3;
	s0 =	sld [smem:$0x3FAA]  }
0x30: {  	s3 =	sld [smem:$0x3FAD]  }
0x31: {  	[smem:$0x3FB6] =	sst s10  }
0x32: {  	s10 =	sld [smem:$0x3FB4];
	_ =	sdelay $0x3  }
0x33: {  	p0 =	seq.s32 s10, $0x1;
	s10 =	sld [smem:$0x3FB6];
	_ =	sdelay $0x3  }
0x34: {  	[smem:$0x3FB6] =	sst s10  }
0x35: {  	s10 =	sld [smem:$0x3FB5];
	_ =	sdelay $0x3  }
0x36: {  	p1 =	seq.s32 s10, $0x1;
	s10 =	sld [smem:$0x3FB6];
	_ =	sdelay $0x3  }
0x37: {  	[smem:$0x3FB6] =	sst s10  }
0x38: {  	s10 =	sld [smem:$0x3FB7]  }
0x39: {  	_ = 	snop;
	(pc) =	sbr.ind lr, $3  }
0x3a: {  	_ = 	snop  }
0x3b: {  	_ = 	snop  }
0x3c: {  	p2 =	seq.s32 s10, $0x1;
	s10 =	sld [smem:$0x3FB6]  }
0x3d: {  	_ =	shalt  }
0x3e: {  	_ =	shalt  }
0x3f: {  	_ =	shalt  }
0x40: {  	_ =	shalt  }
0x41: {  	_ =	shalt  }
0x42: {  	_ =	shalt  }
0x43: {  	_ =	shalt  }
0x44: {  	_ =	shalt  }
0x45: {  	_ =	shalt  }
0x46: {  	_ =	shalt  }
0x47: {  	_ =	shalt  }
0x48: {  	_ =	shalt  }
0x49: {  	_ =	shalt  }
0x4a: {  	_ =	shalt  }
0x4b: {  	_ =	shalt  }
0x4c: {  	_ =	shalt  }
0x4d: {  	_ =	shalt  }
0x4e: {  	_ =	shalt  }
0x4f: {  	_ =	shalt  }
0x50: {  	_ =	shalt  }
0x51: {  	_ =	shalt  }
0x52: {  	_ =	shalt  }
0x53: {  	_ =	shalt  }
0x54: {  	_ =	shalt  }
0x55: {  	_ =	shalt  }
0x56: {  	_ =	shalt  }
0x57: {  	_ =	shalt  }
0x58: {  	_ =	shalt  }
0x59: {  	_ =	shalt  }
0x5a: {  	_ =	shalt  }
0x5b: {  	_ =	shalt  }
0x5c: {  	_ =	shalt  }
0x5d: {  	_ =	shalt  }
0x5e: {  	_ =	shalt  }
0x5f: {  	_ =	shalt  }
0x60: {  	_ =	shalt  }
0x61: {  	_ =	shalt  }
0x62: {  	_ =	shalt  }
0x63: {  	_ =	shalt  }
0x64: {  	_ =	shalt  }
0x65: {  	_ =	shalt  }
0x66: {  	_ =	shalt  }
0x67: {  	_ =	shalt  }
0x68: {  	_ =	shalt  }
0x69: {  	_ =	shalt  }
0x6a: {  	_ =	shalt  }
0x6b: {  	_ =	shalt  }
0x6c: {  	_ =	shalt  }
0x6d: {  	_ =	shalt  }
0x6e: {  	_ =	shalt  }
0x6f: {  	_ =	shalt  }
0x70: {  	_ =	shalt  }
0x71: {  	_ =	shalt  }
0x72: {  	_ =	shalt  }
0x73: {  	_ =	shalt  }
0x74: {  	_ =	shalt  }
0x75: {  	_ =	shalt  }
0x76: {  	_ =	shalt  }
0x77: {  	_ =	shalt  }
0x78: {  	_ =	shalt  }
0x79: {  	_ =	shalt  }
0x7a: {  	_ =	shalt  }
0x7b: {  	_ =	shalt  }
0x7c: {  	_ =	shalt  }
0x7d: {  	_ =	shalt  }
0x7e: {  	_ =	shalt  }
0x7f: {  	_ =	shalt  }
0x80: {  	_ =	shalt  }
0x81: {  	_ =	shalt  }
0x82: {  	_ =	shalt  }
0x83: {  	_ =	shalt  }
0x84: {  	_ =	shalt  }
0x85: {  	_ =	shalt  }
0x86: {  	_ =	shalt  }
0x87: {  	_ =	shalt  }
.Lfunc_end0:
.L_simem_size_0:
called_computation_lowered:
.L_overlay_start_0:
0x88: {  	s0 =	sld [smem:$0x3FD9]  }
0x89: {  	s1 =	sld [smem:$0x3FFE];
	_ =	sdelay $0x3  }
0x8a: {  	s0 =	sadd.s32 s1, s0  }
0x8b: {  	[smem:$0x3FC2] =	sst s0  }
0x8c: {  	_ = 	snop  }
0x8d: {  	s0 =	sld [smem:$0x3FD0];
	(tm) =	ssettm $0x1  }
0x8e: {  	s16 =	sld [smem:$0x3FFB];
	_ =	sdelay $0x3  }
0x8f: {  	_ =	strace s16  }
0x90: {  	s1 =	sld [smem:$0x3FFC];
	_ =	sdelay $0x3  }
0x91: {  	_ =	strace s1  }
0x92: {  	s1 =	sld [smem:$0x3FFD];
	_ =	sdelay $0x3  }
0x93: {  	_ =	strace s1  }
0x94: {  	_ =	strace $0x8FFFFFFF  }
0x95: {  	s17 =	sld [smem:$0x3FDB];
	_ =	sdelay $0x1  }
0x96: {  	s2 =	simm.s32 $_scs_section_size  }
0x97: {  	s3 =	simm.s32 $_size__tile_overlayer_lowered;
	s4 =	simm.s32 $_tile_overlayer_lowered  }
0x98: {  	s20 =	simm.s32 $0x1BFF;
	s19 =	sshll.u32 s4, $0x1;
	s1 =	sadd.s32 s2, s17  }
0x99: {  	s5 =	simm.s32 $0x0;
	s18 =	sshll.u32 s3, $0x1;
	s3 =	sadd.s32 s19, s1  }
0x9a: {  	[timem:s5], [sflag:s20] =	dma.local [hbm:s3], s18  }
0x9b: {  	_ =	swait.ge [sflag:s20], s18  }
0x9c: {  	s2 =	ssub.s32 $0x0, s18;
	[sflag:s20] =	ssyncset.done $0x0  }
0x9d: {  	[sflag:s20] =	ssyncadd.s32 s2;
	_ =	sdelay $0x1  }
0x9e: {  	s21 =	simm.s32 $0x1B8B  }
0x9f: {  	_ =	swait.ge [sflag:s21], $0x1  }
0xa0: {  	[sflag:s21] =	ssyncset.done $0x0  }
0xa1: {  	s23 =	simm.s32 $0x1B8E;
	s22 =	sld [smem:$0x3FFE];
	[sflag:s21] =	ssyncadd.s32 $0xFFFFFFFF  }
0xa2: {  	s24 =	simm.s32 $execute0_lowered;
	[smem:$0x3FD2] =	sst s23  }
0xa3: {  	s3 =	sshll.u32 s24, $0x1;
	_ =	strace $0x80000046;
	[dreg:$0x1] =	wrdreg $0xFFFFFFFF  }
0xa4: {  	s25 =	simm.s32 $_size_execute0_lowered;
	s1 =	sadd.s32 s1, s3;
	[dreg:$0x0] =	wrdreg $0x0  }
0xa5: {  	s3 =	sshll.u32 s25, $0x1;
	[dreg:$0x2] =	wrdreg s1  }
0xa6: {  	[dreg:$0x3] =	wrdreg s3  }
0xa7: {  	[dreg:$0x4] =	wrdreg $0xC0  }
0xa8: {  	_ =	task [dreg:s5], $0x5FFFF  }
0xa9: {  	[dreg:$0x1] =	wrdreg $0xFFFFFFFF  }
0xaa: {  	[dreg:$0x0] =	wrdreg $0x60  }
0xab: {  	[dreg:$0x2] =	wrdreg s22  }
0xac: {  	[dreg:$0x3] =	wrdreg s0  }
0xad: {  	[dreg:$0x4] =	wrdreg $0x9  }
0xae: {  	_ =	task.clear_ibuf [dreg:s5], $0x5FFFF;
	_ =	strace $0x90000046  }
0xaf: {  	s26 =	simm.s32 $0x9;
	_ =	strace $0x80000048  }
0xb0: {  	_ =	swait.ge [sflag:s26], $0x1  }
0xb1: {  	[sflag:s26] =	ssyncadd.s32 $0xFFFFFFFF  }
0xb2: {  	_ =	strace $0x90000048  }
0xb3: {  	_ =	sfence  }
0xb4: {  	s28 =	sld [smem:$0x0];
	_ =	sdelay $0x1  }
0xb5: {  	s29 =	srdreg.scid  }
0xb6: {  	s30 =	sshll.u32 s29, $0xD;
	s31 =	sshrl.u32 s29, $0x2  }
0xb7: {  	s2 =	sand.u32 $0x4000, s30;
	s1 =	sand.u32 $0x1, s29;
	s0 =	sadd.s32 s31, s28  }
0xb8: {  	s1 =	sor.u32 s2, s1;
	s0 =	sshll.u32 s0, $0x11  }
0xb9: {  	s0 =	sor.u32 s0, s1  }
0xba: {  	s0 =	sadd.s32 $0x8F2B, s0  }
0xbb: {  	[sflag:s0] =	ssyncadd.remote.s32 $0x1  }
0xbc: {  	_ =	sfence.sel $0xFFFF  }
0xbd: {  	[dreg:$0x0] =	wrdreg $0xFFFFFFFF;
	(pc) =	sbr.abs _section_cstart, $3  }
0xbe: {  	[dreg:$0x1] =	wrdreg $0xFFFFFFFF  }
0xbf: {  	_ =	task.clear_ibuf [dreg:s5], $0x2FFFF;
	_ =	strace $0x9FFFFFFF  }
0xc0: {  	(tm) =	ssettm $0x7FFFFFFF  }
0xc1: {  	_ =	shalt  }
tec
execute0_lowered:
.L_overlay_start_1:
0x0: {  	(tag) =	ssettag $0x1  }
0x1: {  	s2 =	rddreg [dreg:$0x0]  }
0x2: {  	s1 =	rddreg [dreg:$0x1];
	s3 =	stileid.u32  }
0x3: {  	s0 =	rddreg [dreg:$0x2];
	_ =	strace $0x80000047;
	p0 =	sne.s32 s3, $0x0  }
0x4: {  	_ =	sfence.sel @p0 $0x180000  }
0x5: {  	[bflag:$0x0] =	sbarrier.arrive @p0 $0xFFFF  }
0x6: {  	_ =	strace @p0 $0x90000047  }
0x7: {  	[bflag:$0x2] =	sbarrier.arrive @p0 $0xFFFF  }
0x8: {  	_ =	shalt @p0  }
.LBB2_1:
0x9: {  	s2 =	sadd.s32 $0x600, s2;
	s3 =	simm.s32 $0x0;
	s31 =	simm.s32 $0x1  }
0xa: {  	[tilespmem:s3], [sflag:$0x1] =	stream.linear.gather [hbm4b:s2+s3], $0x80, $0x38;
	[tilespmem:$0x280] =	vst v63  }
0xb: {  	_ =	swait.ge [sflag:s31], $0x80  }
0xc: {  	[sflag:s31] =	ssyncset.done $0x0  }
0xd: {  	v0 =	vimm.f32 $0.0e+00;
	[sflag:s31] =	ssyncadd.s32 $0xFFFFFF80  }
0xe: {  	[tilespmem:$0x80] =	vst v0  }
0xf: {  	[tilespmem:$0x90] =	vst v0  }
0x10: {  	[tilespmem:$0xA0] =	vst v0  }
0x11: {  	[tilespmem:$0xB0] =	vst v0  }
0x12: {  	[tilespmem:$0xC0] =	vst v0  }
0x13: {  	[tilespmem:$0xD0] =	vst v0  }
0x14: {  	[tilespmem:$0xE0] =	vst v0  }
0x15: {  	[tilespmem:$0xF0] =	vst v0  }
0x16: {  	[tilespmem:$0x100] =	vst v0  }
0x17: {  	[tilespmem:$0x110] =	vst v0  }
0x18: {  	[tilespmem:$0x120] =	vst v0  }
0x19: {  	[tilespmem:$0x130] =	vst v0  }
0x1a: {  	[tilespmem:$0x140] =	vst v0  }
0x1b: {  	[tilespmem:$0x150] =	vst v0  }
0x1c: {  	[tilespmem:$0x160] =	vst v0  }
0x1d: {  	[tilespmem:$0x170] =	vst v0  }
0x1e: {  	[tilespmem:$0x180] =	vst v0  }
0x1f: {  	[tilespmem:$0x190] =	vst v0  }
0x20: {  	[tilespmem:$0x1A0] =	vst v0  }
0x21: {  	[tilespmem:$0x1B0] =	vst v0  }
0x22: {  	[tilespmem:$0x1C0] =	vst v0  }
0x23: {  	[tilespmem:$0x1D0] =	vst v0;
	v1 =	vld [tilespmem:$0x0]  }
0x24: {  	[tilespmem:$0x1E0] =	vst v0  }
0x25: {  	[tilespmem:$0x1F0] =	vst v0  }
0x26: {  	[tilespmem:$0x200] =	vst v0  }
0x27: {  	v2 =	vlaneseq.u32;
	[tilespmem:$0x210] =	vst v0  }
0x28: {  	v2 =	vshrl.u32 v2, $0x1;
	[tilespmem:$0x220] =	vst v0;
	v1 =	vshll.u32 v1, $0x5  }
0x29: {  	[tilespmem:$0x230] =	vst v0;
	v3 =	vld [tilespmem:$0x40];
	v1 =	vor.u32 v2, v1  }
0x2a: {  	[tilespmem:$0x240] =	vst v0  }
0x2b: {  	[tilespmem:$0x250] =	vst v0  }
0x2c: {  	[tilespmem:$0x260] =	vst v0  }
0x2d: {  	s4 =	simm.s32 $0x80;
	[tilespmem:$0x270] =	vst v0  }
0x2e: {  	[tilespmem:v1+s4+$0x0] =	vst.idx.add.f32.msk $0xffff, v3  }
0x2f: {  	v57 =	vld [tilespmem:$0x10];
	_ =	sdelay $0x4  }
0x30: {  	v58 =	vor.u32 $0x8, v2;
	v0 =	vshll.u32 v57, $0x5  }
0x31: {  	v59 =	vld [tilespmem:$0x50];
	v0 =	vor.u32 v58, v0;
	_ =	sdelay $0x4  }
0x32: {  	[tilespmem:v0+s4+$0x0] =	vst.idx.add.f32.msk $0xffff, v59  }
0x33: {  	v0 =	vld [tilespmem:$0x20];
	_ =	sdelay $0x4  }
0x34: {  	v60 =	vor.u32 $0x10, v2;
	v0 =	vshll.u32 v0, $0x5  }
0x35: {  	v61 =	vld [tilespmem:$0x60];
	v0 =	vor.u32 v60, v0;
	_ =	sdelay $0x4  }
0x36: {  	[tilespmem:v0+s4+$0x0] =	vst.idx.add.f32.msk $0xffff, v61  }
0x37: {  	v0 =	vld [tilespmem:$0x30];
	_ =	sdelay $0x4  }
0x38: {  	v62 =	vor.u32 $0x18, v2;
	v0 =	vshll.u32 v0, $0x5  }
0x39: {  	v63 =	vld [tilespmem:$0x70];
	v0 =	vor.u32 v62, v0;
	_ =	sdelay $0x4  }
0x3a: {  	[tilespmem:v0+s4+$0x0] =	vst.idx.add.f32.msk $0xffff, v63  }
0x3b: {  	[hbm4b:s1+s3] =	stream.linear.scatter [tilespmem:s4], [sflag:$0x1], $0x200, $0x38;
	[tilespmem:$0x280] =	vst v63  }
0x3c: {  	_ =	swait.ge [sflag:s31], $0x200  }
0x3d: {  	[sflag:s31] =	ssyncset.done $0x0  }
0x3e: {  	[sflag:s31] =	ssyncadd.s32 $0xFFFFFE00  }
0x3f: {  	_ =	sfence.sel $0x180000  }
0x40: {  	[bflag:$0x0] =	sbarrier.arrive $0xFFFF  }
0x41: {  	_ =	strace $0x90000047  }
0x42: {  	s0 =	sadd.s32 $0x100000, s0;
	[bflag:$0x2] =	sbarrier.arrive $0xFFFF  }
0x43: {  	[sflag:s0] =	ssyncadd.tile.s32 $0x1;
	_ =	shalt  }
.Lfunc_end2:
_tile_overlayer_lowered:
.L_overlay_start_2:
0x44: {  	(tag) =	ssettag $0x2  }
0x45: {  	s0 =	rddreg [dreg:$0x0];
	s2 =	stileid.u32  }
0x46: {  	s1 =	rddreg [dreg:$0x1];
	p0 =	sne.s32 s2, $0x0  }
0x47: {  	s3 =	rddreg [dreg:$0x2];
	[bflag:$0x3] =	sbarrier.arrive $0xFFFF;
	s2 =	simm.s32 @!p0 $0x1C01  }
0x48: {  	[timem:s3], [sflag:s2] =	dma.local @!p0 [hbm:s0], s1  }
0x49: {  	s0 =	simm.s32 @!p0 $0x1  }
0x4a: {  	_ =	swait.ge @!p0 [sflag:s0], s1  }
0x4b: {  	s1 =	ssub.s32 @!p0 $0x0, s1;
	[sflag:s0] =	ssyncset.done @!p0 $0x0  }
0x4c: {  	[sflag:s0] =	ssyncadd.s32 @!p0 s1  }
0x4d: {  	[bflag:$0x3] =	sbarrier.arrive $0xFFFF  }
0x4e: {  	_ =	shalt  }

</sc_bundles>
